<compile_context>
chip_gen: v7x
topology: tpu7x:2x2x1
jax: 0.10.2.dev20260603
libtpu: 0.0.44.dev20260713+nightly
codegen_flags: <defaults>
</compile_context>

<pallas_src>
import functools

import jax
import jax.numpy as jnp
from jax import lax
from jax.experimental import pallas as pl
from jax.experimental.pallas import tpu as pltpu
from jax.experimental.pallas import tpu_sc as plsc

_N = 1024 * 1024
_NC = 2
_NS = 16
_NW = _NC * _NS
_CHUNK = _N // _NW
_NB = 2
_SUB = _CHUNK // _NB
_L = 16


def _sc_body(w_hbm, n_hbm, o_hbm,
             w0, w1, n0, n1, o0, o1,
             sw0, sw1, sn0, sn1, so0, so1):
    wid = lax.axis_index("s") * _NC + lax.axis_index("c")
    base = wid * _CHUNK
    wv = (w0, w1)
    nv = (n0, n1)
    ov = (o0, o1)
    sw = (sw0, sw1)
    sn = (sn0, sn1)
    so = (so0, so1)

    def start_in(g):
        b = g & 1
        off = base + g * _SUB
        hw = pltpu.async_copy(w_hbm.at[pl.ds(off, _SUB)], wv[b], sw[b])
        hn = pltpu.async_copy(n_hbm.at[pl.ds(off, _SUB)], nv[b], sn[b])
        return hw, hn

    in_h = [None, None]
    out_h = [None, None]
    in_h[0] = start_in(0)
    for g in range(_NB):
        b = g & 1
        if g + 1 < _NB:
            in_h[1 - b] = start_in(g + 1)
        hw, hn = in_h[b]
        hw.wait()
        hn.wait()
        if out_h[b] is not None:
            out_h[b].wait()
        wb, nb, ob = wv[b], nv[b], ov[b]

        @plsc.parallel_loop(0, _SUB, step=_L, unroll=8)
        def _loop(i):
            x = (nb[pl.ds(i, _L)] - wb[pl.ds(i, _L)]) * 10.0
            ob[pl.ds(i, _L)] = 1.0 / (1.0 + jnp.exp(x))

        out_h[b] = pltpu.async_copy(
            ov[b], o_hbm.at[pl.ds(base + g * _SUB, _SUB)], so[b])
    out_h[0].wait()
    out_h[1].wait()


_sc_kernel = functools.partial(
    pl.kernel,
    mesh=plsc.VectorSubcoreMesh(core_axis_name="c", subcore_axis_name="s"),
    out_type=jax.ShapeDtypeStruct((_N,), jnp.float32),
    scratch_types=(
        [pltpu.VMEM((_SUB,), jnp.float32) for _ in range(6)]
        + [pltpu.SemaphoreType.DMA for _ in range(6)]
    ),
)(_sc_body)


def kernel(weights, noises):
    return _sc_kernel(weights, noises)

# --- scband reference (transcript-rebuilt; emitter-appended) ---
"""Pipeline reference for scband-generator-32341103739236 (READ-ONLY COPY).

The authoritative reference and input builder live on the scoring server;
editing this copy changes nothing except your own understanding.
"""

import jax, jax.numpy as jnp
import numpy as np

N_G_NODES = 1024
N_CANDIDATE = N_G_NODES * N_G_NODES  # 1048576
TEMPERATURE = 0.1


def setup_inputs(seed: int = 0) -> dict:
    key = jax.random.key(seed)
    k1, k2 = jax.random.split(key)
    # learned parameter: Generator.weights (init_rate < 0 branch -> torch.rand)
    weights = jax.random.uniform(k1, (N_CANDIDATE,), dtype=jnp.float32)
    # forward() draws fresh uniform noise each call; materialize it here so the
    # reference is deterministic
    noises = jax.random.uniform(k2, (N_CANDIDATE,), dtype=jnp.float32)
    return {"weights": weights, "noises": noises}


def reference(weights, noises):
    # Faithful translation of Generator.forward():
    #   noises = torch.rand(n_candidate)
    #   matrix = self.weights - noises
    #   matrix = torch.sigmoid(matrix / self.temperature)
    matrix = weights - noises
    matrix = jax.nn.sigmoid(matrix / TEMPERATURE)
    return matrix

if __name__ == "__main__":
    import jax
    _d = setup_inputs()
    print(jax.jit(kernel)(*tuple(_d.values())))

</pallas_src>

<mosaic_0001>
#map = affine_map<(d0, d1) -> (0)>
module attributes {stable_mosaic.version = 14 : i64} {
  func.func @_sc_body(%arg0: i32, %arg1: i32, %arg2: memref<1048576xf32, #tpu.memory_space<hbm>>, %arg3: memref<1048576xf32, #tpu.memory_space<hbm>>, %arg4: memref<1048576xf32, #tpu.memory_space<hbm>>, %arg5: memref<16384xf32, #tpu.memory_space<vmem>>, %arg6: memref<16384xf32, #tpu.memory_space<vmem>>, %arg7: memref<16384xf32, #tpu.memory_space<vmem>>, %arg8: memref<16384xf32, #tpu.memory_space<vmem>>, %arg9: memref<16384xf32, #tpu.memory_space<vmem>>, %arg10: memref<16384xf32, #tpu.memory_space<vmem>>, %arg11: memref<!tpu.dma_semaphore, #tpu.memory_space<semaphore_mem>>, %arg12: memref<!tpu.dma_semaphore, #tpu.memory_space<semaphore_mem>>, %arg13: memref<!tpu.dma_semaphore, #tpu.memory_space<semaphore_mem>>, %arg14: memref<!tpu.dma_semaphore, #tpu.memory_space<semaphore_mem>>, %arg15: memref<!tpu.dma_semaphore, #tpu.memory_space<semaphore_mem>>, %arg16: memref<!tpu.dma_semaphore, #tpu.memory_space<semaphore_mem>>) attributes {dimension_semantics = [#tpu.dimension_semantics<core_parallel>, #tpu.dimension_semantics<subcore_parallel>], iteration_bounds = array<i64: 2, 16>, scalar_prefetch = 0 : i64, scratch_operands = 12 : i64, tpu.core_type = #tpu.core_type<sc_vector_subcore>, window_params = [{transform_indices = #map}, {transform_indices = #map}, {transform_indices = #map}]} {
    %mul3A = arith.constant 2 : i32
    %mul3A_0 = arith.muli %arg1, %mul3A : i32
    %add3A = arith.addi %mul3A_0, %arg0 : i32
    %mul3A_1 = arith.constant 32768 : i32
    %mul3A_2 = arith.muli %add3A, %mul3A_1 : i32
    %add3A_3 = arith.constant 0 : i32
    %add3A_4 = arith.addi %mul3A_2, %add3A_3 : i32
    %dma_start3A = tpu.memref_slice %arg2[%add3A_4] : memref<1048576xf32, #tpu.memory_space<hbm>> -> memref<16384xf32, #tpu.memory_space<hbm>>
    %dma_start3A_5 = tpu.memref_slice %arg2[%add3A_4] : memref<1048576xf32, #tpu.memory_space<hbm>> -> memref<16384xf32, #tpu.memory_space<hbm>>
    tpu.enqueue_dma source(%dma_start3A_5 : memref<16384xf32, #tpu.memory_space<hbm>>) target(%arg5 : memref<16384xf32, #tpu.memory_space<vmem>>) target_semaphore(%arg11 : memref<!tpu.dma_semaphore, #tpu.memory_space<semaphore_mem>>)
    %dma_start3A_6 = tpu.memref_slice %arg3[%add3A_4] : memref<1048576xf32, #tpu.memory_space<hbm>> -> memref<16384xf32, #tpu.memory_space<hbm>>
    %dma_start3A_7 = tpu.memref_slice %arg3[%add3A_4] : memref<1048576xf32, #tpu.memory_space<hbm>> -> memref<16384xf32, #tpu.memory_space<hbm>>
    tpu.enqueue_dma source(%dma_start3A_7 : memref<16384xf32, #tpu.memory_space<hbm>>) target(%arg7 : memref<16384xf32, #tpu.memory_space<vmem>>) target_semaphore(%arg13 : memref<!tpu.dma_semaphore, #tpu.memory_space<semaphore_mem>>)
    %add3A_8 = arith.constant 16384 : i32
    %add3A_9 = arith.addi %mul3A_2, %add3A_8 : i32
    %dma_start3A_10 = tpu.memref_slice %arg2[%add3A_9] : memref<1048576xf32, #tpu.memory_space<hbm>> -> memref<16384xf32, #tpu.memory_space<hbm>>
    %dma_start3A_11 = tpu.memref_slice %arg2[%add3A_9] : memref<1048576xf32, #tpu.memory_space<hbm>> -> memref<16384xf32, #tpu.memory_space<hbm>>
    tpu.enqueue_dma source(%dma_start3A_11 : memref<16384xf32, #tpu.memory_space<hbm>>) target(%arg6 : memref<16384xf32, #tpu.memory_space<vmem>>) target_semaphore(%arg12 : memref<!tpu.dma_semaphore, #tpu.memory_space<semaphore_mem>>)
    %dma_start3A_12 = tpu.memref_slice %arg3[%add3A_9] : memref<1048576xf32, #tpu.memory_space<hbm>> -> memref<16384xf32, #tpu.memory_space<hbm>>
    %dma_start3A_13 = tpu.memref_slice %arg3[%add3A_9] : memref<1048576xf32, #tpu.memory_space<hbm>> -> memref<16384xf32, #tpu.memory_space<hbm>>
    tpu.enqueue_dma source(%dma_start3A_13 : memref<16384xf32, #tpu.memory_space<hbm>>) target(%arg8 : memref<16384xf32, #tpu.memory_space<vmem>>) target_semaphore(%arg14 : memref<!tpu.dma_semaphore, #tpu.memory_space<semaphore_mem>>)
    %dma_wait3A = tpu.memref_slice %arg2[%add3A_4] : memref<1048576xf32, #tpu.memory_space<hbm>> -> memref<16384xf32, #tpu.memory_space<hbm>>
    %dma_wait3A_14 = tpu.memref_slice %arg2[%add3A_4] : memref<1048576xf32, #tpu.memory_space<hbm>> -> memref<16384xf32, #tpu.memory_space<hbm>>
    tpu.wait_dma2 semaphore(%arg11 : memref<!tpu.dma_semaphore, #tpu.memory_space<semaphore_mem>>) src(%dma_wait3A_14 : memref<16384xf32, #tpu.memory_space<hbm>>) dst(%arg5 : memref<16384xf32, #tpu.memory_space<vmem>>)
    %dma_wait3A_15 = tpu.memref_slice %arg3[%add3A_4] : memref<1048576xf32, #tpu.memory_space<hbm>> -> memref<16384xf32, #tpu.memory_space<hbm>>
    %dma_wait3A_16 = tpu.memref_slice %arg3[%add3A_4] : memref<1048576xf32, #tpu.memory_space<hbm>> -> memref<16384xf32, #tpu.memory_space<hbm>>
    tpu.wait_dma2 semaphore(%arg13 : memref<!tpu.dma_semaphore, #tpu.memory_space<semaphore_mem>>) src(%dma_wait3A_16 : memref<16384xf32, #tpu.memory_space<hbm>>) dst(%arg7 : memref<16384xf32, #tpu.memory_space<vmem>>)
    %parallel_loop3A = arith.constant 0 : i32
    %parallel_loop3A_17 = arith.constant 16384 : i32
    %parallel_loop3A_18 = arith.constant 16 : i32
    scf.for %parallel_loop3A_38 = %parallel_loop3A to %parallel_loop3A_17 step %parallel_loop3A_18  : i32 {
      %parallel_loop3A_39 = arith.index_cast %parallel_loop3A_38 : i32 to index
      %parallel_loop3A_40 = tpu.vector_load %arg7[%parallel_loop3A_39] {strides = array<i32>} : memref<16384xf32, #tpu.memory_space<vmem>>, vector<16xf32>,
      %parallel_loop3A_41 = vector.shape_cast %parallel_loop3A_40 : vector<16xf32> to vector<16xf32>
      %parallel_loop3A_42 = arith.index_cast %parallel_loop3A_38 : i32 to index
      %parallel_loop3A_43 = tpu.vector_load %arg5[%parallel_loop3A_42] {strides = array<i32>} : memref<16384xf32, #tpu.memory_space<vmem>>, vector<16xf32>,
      %parallel_loop3A_44 = vector.shape_cast %parallel_loop3A_43 : vector<16xf32> to vector<16xf32>
      %parallel_loop3A_45 = arith.subf %parallel_loop3A_41, %parallel_loop3A_44 : vector<16xf32>
      %parallel_loop3A_46 = arith.constant 1.000000e+01 : f32
      %parallel_loop3A_47 = vector.broadcast %parallel_loop3A_46 : f32 to vector<16xf32>
      %parallel_loop3A_48 = arith.mulf %parallel_loop3A_45, %parallel_loop3A_47 : vector<16xf32>
      %parallel_loop3A_49 = math.exp %parallel_loop3A_48 : vector<16xf32>
      %parallel_loop3A_50 = arith.constant 1.000000e+00 : f32
      %parallel_loop3A_51 = vector.broadcast %parallel_loop3A_50 : f32 to vector<16xf32>
      %parallel_loop3A_52 = arith.addf %parallel_loop3A_51, %parallel_loop3A_49 : vector<16xf32>
      %parallel_loop3A_53 = arith.constant 1.000000e+00 : f32
      %parallel_loop3A_54 = vector.broadcast %parallel_loop3A_53 : f32 to vector<16xf32>
      %parallel_loop3A_55 = arith.divf %parallel_loop3A_54, %parallel_loop3A_52 : vector<16xf32>
      %parallel_loop3A_56 = arith.index_cast %parallel_loop3A_38 : i32 to index
      %parallel_loop3A_57 = tpu.vector_load %arg9[%parallel_loop3A_56] {strides = array<i32>} : memref<16384xf32, #tpu.memory_space<vmem>>, vector<16xf32>,
      %parallel_loop3A_58 = vector.shape_cast %parallel_loop3A_57 : vector<16xf32> to vector<16xf32>
      %parallel_loop3A_59 = vector.shape_cast %parallel_loop3A_55 : vector<16xf32> to vector<16xf32>
      tpu.vector_store %arg9[%parallel_loop3A_56], %parallel_loop3A_59 {strides = array<i32>} : memref<16384xf32, #tpu.memory_space<vmem>>, vector<16xf32>,
    } {sc.loop_unroll_factor = 8 : i64, sc.parallel_access}
    %add3A_19 = arith.constant 0 : i32
    %add3A_20 = arith.addi %mul3A_2, %add3A_19 : i32
    %dma_start3A_21 = tpu.memref_slice %arg4[%add3A_20] : memref<1048576xf32, #tpu.memory_space<hbm>> -> memref<16384xf32, #tpu.memory_space<hbm>>
    %dma_start3A_22 = tpu.memref_slice %arg4[%add3A_20] : memref<1048576xf32, #tpu.memory_space<hbm>> -> memref<16384xf32, #tpu.memory_space<hbm>>
    tpu.enqueue_dma source(%arg9 : memref<16384xf32, #tpu.memory_space<vmem>>) target(%dma_start3A_22 : memref<16384xf32, #tpu.memory_space<hbm>>) target_semaphore(%arg15 : memref<!tpu.dma_semaphore, #tpu.memory_space<semaphore_mem>>)
    %dma_wait3A_23 = tpu.memref_slice %arg2[%add3A_9] : memref<1048576xf32, #tpu.memory_space<hbm>> -> memref<16384xf32, #tpu.memory_space<hbm>>
    %dma_wait3A_24 = tpu.memref_slice %arg2[%add3A_9] : memref<1048576xf32, #tpu.memory_space<hbm>> -> memref<16384xf32, #tpu.memory_space<hbm>>
    tpu.wait_dma2 semaphore(%arg12 : memref<!tpu.dma_semaphore, #tpu.memory_space<semaphore_mem>>) src(%dma_wait3A_24 : memref<16384xf32, #tpu.memory_space<hbm>>) dst(%arg6 : memref<16384xf32, #tpu.memory_space<vmem>>)
    %dma_wait3A_25 = tpu.memref_slice %arg3[%add3A_9] : memref<1048576xf32, #tpu.memory_space<hbm>> -> memref<16384xf32, #tpu.memory_space<hbm>>
    %dma_wait3A_26 = tpu.memref_slice %arg3[%add3A_9] : memref<1048576xf32, #tpu.memory_space<hbm>> -> memref<16384xf32, #tpu.memory_space<hbm>>
    tpu.wait_dma2 semaphore(%arg14 : memref<!tpu.dma_semaphore, #tpu.memory_space<semaphore_mem>>) src(%dma_wait3A_26 : memref<16384xf32, #tpu.memory_space<hbm>>) dst(%arg8 : memref<16384xf32, #tpu.memory_space<vmem>>)
    %parallel_loop3A_27 = arith.constant 0 : i32
    %parallel_loop3A_28 = arith.constant 16384 : i32
    %parallel_loop3A_29 = arith.constant 16 : i32
    scf.for %parallel_loop3A_38 = %parallel_loop3A_27 to %parallel_loop3A_28 step %parallel_loop3A_29  : i32 {
      %parallel_loop3A_39 = arith.index_cast %parallel_loop3A_38 : i32 to index
      %parallel_loop3A_40 = tpu.vector_load %arg8[%parallel_loop3A_39] {strides = array<i32>} : memref<16384xf32, #tpu.memory_space<vmem>>, vector<16xf32>,
      %parallel_loop3A_41 = vector.shape_cast %parallel_loop3A_40 : vector<16xf32> to vector<16xf32>
      %parallel_loop3A_42 = arith.index_cast %parallel_loop3A_38 : i32 to index
      %parallel_loop3A_43 = tpu.vector_load %arg6[%parallel_loop3A_42] {strides = array<i32>} : memref<16384xf32, #tpu.memory_space<vmem>>, vector<16xf32>,
      %parallel_loop3A_44 = vector.shape_cast %parallel_loop3A_43 : vector<16xf32> to vector<16xf32>
      %parallel_loop3A_45 = arith.subf %parallel_loop3A_41, %parallel_loop3A_44 : vector<16xf32>
      %parallel_loop3A_46 = arith.constant 1.000000e+01 : f32
      %parallel_loop3A_47 = vector.broadcast %parallel_loop3A_46 : f32 to vector<16xf32>
      %parallel_loop3A_48 = arith.mulf %parallel_loop3A_45, %parallel_loop3A_47 : vector<16xf32>
      %parallel_loop3A_49 = math.exp %parallel_loop3A_48 : vector<16xf32>
      %parallel_loop3A_50 = arith.constant 1.000000e+00 : f32
      %parallel_loop3A_51 = vector.broadcast %parallel_loop3A_50 : f32 to vector<16xf32>
      %parallel_loop3A_52 = arith.addf %parallel_loop3A_51, %parallel_loop3A_49 : vector<16xf32>
      %parallel_loop3A_53 = arith.constant 1.000000e+00 : f32
      %parallel_loop3A_54 = vector.broadcast %parallel_loop3A_53 : f32 to vector<16xf32>
      %parallel_loop3A_55 = arith.divf %parallel_loop3A_54, %parallel_loop3A_52 : vector<16xf32>
      %parallel_loop3A_56 = arith.index_cast %parallel_loop3A_38 : i32 to index
      %parallel_loop3A_57 = tpu.vector_load %arg10[%parallel_loop3A_56] {strides = array<i32>} : memref<16384xf32, #tpu.memory_space<vmem>>, vector<16xf32>,
      %parallel_loop3A_58 = vector.shape_cast %parallel_loop3A_57 : vector<16xf32> to vector<16xf32>
      %parallel_loop3A_59 = vector.shape_cast %parallel_loop3A_55 : vector<16xf32> to vector<16xf32>
      tpu.vector_store %arg10[%parallel_loop3A_56], %parallel_loop3A_59 {strides = array<i32>} : memref<16384xf32, #tpu.memory_space<vmem>>, vector<16xf32>,
    } {sc.loop_unroll_factor = 8 : i64, sc.parallel_access}
    %add3A_30 = arith.constant 16384 : i32
    %add3A_31 = arith.addi %mul3A_2, %add3A_30 : i32
    %dma_start3A_32 = tpu.memref_slice %arg4[%add3A_31] : memref<1048576xf32, #tpu.memory_space<hbm>> -> memref<16384xf32, #tpu.memory_space<hbm>>
    %dma_start3A_33 = tpu.memref_slice %arg4[%add3A_31] : memref<1048576xf32, #tpu.memory_space<hbm>> -> memref<16384xf32, #tpu.memory_space<hbm>>
    tpu.enqueue_dma source(%arg10 : memref<16384xf32, #tpu.memory_space<vmem>>) target(%dma_start3A_33 : memref<16384xf32, #tpu.memory_space<hbm>>) target_semaphore(%arg16 : memref<!tpu.dma_semaphore, #tpu.memory_space<semaphore_mem>>)
    %dma_wait3A_34 = tpu.memref_slice %arg4[%add3A_20] : memref<1048576xf32, #tpu.memory_space<hbm>> -> memref<16384xf32, #tpu.memory_space<hbm>>
    %dma_wait3A_35 = tpu.memref_slice %arg4[%add3A_20] : memref<1048576xf32, #tpu.memory_space<hbm>> -> memref<16384xf32, #tpu.memory_space<hbm>>
    tpu.wait_dma2 semaphore(%arg15 : memref<!tpu.dma_semaphore, #tpu.memory_space<semaphore_mem>>) src(%arg9 : memref<16384xf32, #tpu.memory_space<vmem>>) dst(%dma_wait3A_35 : memref<16384xf32, #tpu.memory_space<hbm>>)
    %dma_wait3A_36 = tpu.memref_slice %arg4[%add3A_31] : memref<1048576xf32, #tpu.memory_space<hbm>> -> memref<16384xf32, #tpu.memory_space<hbm>>
    %dma_wait3A_37 = tpu.memref_slice %arg4[%add3A_31] : memref<1048576xf32, #tpu.memory_space<hbm>> -> memref<16384xf32, #tpu.memory_space<hbm>>
    tpu.wait_dma2 semaphore(%arg16 : memref<!tpu.dma_semaphore, #tpu.memory_space<semaphore_mem>>) src(%arg10 : memref<16384xf32, #tpu.memory_space<vmem>>) dst(%dma_wait3A_37 : memref<16384xf32, #tpu.memory_space<hbm>>)
    return
  }
}

</mosaic_0001>

<sc_bundles>
// kernel: kernel.3.cloned.1.call-start
scs
__scs_entry_jumppad:
0x0: {  	(pc) =	sbr.rel $0x88, $3  }
0x1: {  	(tag) =	ssettag $0x0;
	lr =	simm.s32 $0x1  }
0x2: {  	[smem:$0x3F9F] =	sst lr;
	_ =	strace $0xD0000000  }
0x3: {  	_ = 	snop  }
0x4: {  	_ = 	snop  }
0x5: {  	_ = 	snop  }
0x6: {  	_ = 	snop  }
0x7: {  	_ = 	snop  }
__scs_overlays_trampoline_lowered:
0x8: {  	[smem:$0x3FAE] =	sst s0  }
0x9: {  	[smem:$0x3FAF] =	sst s1  }
0xa: {  	[smem:$0x3FB0] =	sst s2  }
0xb: {  	[smem:$0x3FB1] =	sst s3  }
0xc: {  	[smem:$0x3FB2] =	sst s4  }
0xd: {  	[smem:$0x3FB3] =	sst s5  }
0xe: {  	[smem:$0x3FB4] =	sst s6  }
0xf: {  	[smem:$0x3FB5] =	sst s7  }
0x10: {  	[smem:$0x3FB6] =	sst s8  }
0x11: {  	[smem:$0x3FB7] =	sst s9;
	s0 =	simm.s32 @!p0 $0x0  }
0x12: {  	s1 =	sld [smem:$0x3F9D];
	s0 =	simm.s32 @p0 $0x1  }
0x13: {  	[smem:$0x3FB8] =	sst s0;
	s0 =	simm.s32 @!p1 $0x0  }
0x14: {  	s2 =	sld [smem:$0x3F9C];
	s0 =	simm.s32 @p1 $0x1  }
0x15: {  	[smem:$0x3FB9] =	sst s0;
	s0 =	simm.s32 @!p2 $0x0  }
0x16: {  	s3 =	sld [smem:$0x3FDB];
	s0 =	simm.s32 @p2 $0x1  }
0x17: {  	s4 =	simm.s32 $0x1BF5;
	[smem:$0x3FBB] =	sst s0  }
0x18: {  	s0 =	sld [smem:$0x3F9E];
	_ =	swait.ge [sflag:s4], $0x0  }
0x19: {  	s7 =	sld [smem:$0x3F9F]  }
0x1a: {  	s8 =	sadd.s32 $0xFFFFE003, lr  }
0x1b: {  	s9 =	sadd.s32 $0xFFFFFEF7, lr;
	s5 =	simm.s32 $0xFFFFFFFF;
	p2 =	slt.u32 s8, $0xFFFFF086  }
0x1c: {  	p1 =	slt.u32 s9, $0xF7A;
	s5 =	simm.s32 @!p2 $0x0  }
0x1d: {  	s5 =	simm.s32 @p1 $0x1;
	p0 =	seq.s32 s7, s2  }
0x1e: {  	s7 =	smul.u32 @!p0 $0xF7A, s2;
	p2 =	seq.s32 @!p0 s5, $0x0  }
0x1f: {  	s9 =	smul.u32 $0xF7A, s1;
	s8 =	simm.s32 @!p0 $0x1BF5;
	p2 =	por !p2, p0  }
0x20: {  	[sflag:s8] =	ssyncset.s32 @!p0 $0xFFFFF086;
	s6 =	sadd.s32 @!p0 s3, s7;
	s7 =	simm.s32 @!p0 $0x108  }
0x21: {  	s3 =	sadd.s32 s3, s9;
	s6 =	sadd.s32 @!p0 $0x88, s6;
	s7 =	simm.s32 @p2 $0x1082  }
0x22: {  	[simem:s7], [sflag:s8] =	dma.local @!p0 [hbm:s6], $0xF7A  }
0x23: {  	s9 =	sor.u32 $0xD0000000, s2;
	s6 =	simm.s32 $0x108;
	_ =	swait.ge @!p0 [sflag:s8], $0x0  }
0x24: {  	s3 =	sadd.s32 $0x88, s3;
	s6 =	simm.s32 @!p1 $0x1082;
	[sflag:s4] =	ssyncset.s32 $0xFFFFF086  }
0x25: {  	[simem:s6], [sflag:s4] =	dma.local [hbm:s3], $0xF7A  }
0x26: {  	[smem:$0x3F9F] =	sst s1;
	(tag) =	ssettag s2;
	_ =	strace s9  }
0x27: {  	s1 =	sld [smem:$0x3FAF]  }
0x28: {  	s2 =	sld [smem:$0x3FB0]  }
0x29: {  	s4 =	sld [smem:$0x3FB2]  }
0x2a: {  	p0 =	seq.s32 s5, $0x0;
	s5 =	sld [smem:$0x3FB3]  }
0x2b: {  	s6 =	sld [smem:$0x3FB4]  }
0x2c: {  	s7 =	sld [smem:$0x3FB5]  }
0x2d: {  	s3 =	simm.s32 $0x108;
	s8 =	sld [smem:$0x3FB6]  }
0x2e: {  	s3 =	simm.s32 @!p0 $0x1082;
	s9 =	sld [smem:$0x3FB7]  }
0x2f: {  	lr =	sadd.s32 s0, s3;
	s0 =	sld [smem:$0x3FAE]  }
0x30: {  	s3 =	sld [smem:$0x3FB1]  }
0x31: {  	[smem:$0x3FBA] =	sst s10  }
0x32: {  	s10 =	sld [smem:$0x3FB8];
	_ =	sdelay $0x3  }
0x33: {  	p0 =	seq.s32 s10, $0x1;
	s10 =	sld [smem:$0x3FBA];
	_ =	sdelay $0x3  }
0x34: {  	[smem:$0x3FBA] =	sst s10  }
0x35: {  	s10 =	sld [smem:$0x3FB9];
	_ =	sdelay $0x3  }
0x36: {  	p1 =	seq.s32 s10, $0x1;
	s10 =	sld [smem:$0x3FBA];
	_ =	sdelay $0x3  }
0x37: {  	[smem:$0x3FBA] =	sst s10  }
0x38: {  	s10 =	sld [smem:$0x3FBB]  }
0x39: {  	_ = 	snop;
	(pc) =	sbr.ind lr, $3  }
0x3a: {  	_ = 	snop  }
0x3b: {  	_ = 	snop  }
0x3c: {  	p2 =	seq.s32 s10, $0x1;
	s10 =	sld [smem:$0x3FBA]  }
0x3d: {  	_ =	shalt  }
0x3e: {  	_ =	shalt  }
0x3f: {  	_ =	shalt  }
0x40: {  	_ =	shalt  }
0x41: {  	_ =	shalt  }
0x42: {  	_ =	shalt  }
0x43: {  	_ =	shalt  }
0x44: {  	_ =	shalt  }
0x45: {  	_ =	shalt  }
0x46: {  	_ =	shalt  }
0x47: {  	_ =	shalt  }
0x48: {  	_ =	shalt  }
0x49: {  	_ =	shalt  }
0x4a: {  	_ =	shalt  }
0x4b: {  	_ =	shalt  }
0x4c: {  	_ =	shalt  }
0x4d: {  	_ =	shalt  }
0x4e: {  	_ =	shalt  }
0x4f: {  	_ =	shalt  }
0x50: {  	_ =	shalt  }
0x51: {  	_ =	shalt  }
0x52: {  	_ =	shalt  }
0x53: {  	_ =	shalt  }
0x54: {  	_ =	shalt  }
0x55: {  	_ =	shalt  }
0x56: {  	_ =	shalt  }
0x57: {  	_ =	shalt  }
0x58: {  	_ =	shalt  }
0x59: {  	_ =	shalt  }
0x5a: {  	_ =	shalt  }
0x5b: {  	_ =	shalt  }
0x5c: {  	_ =	shalt  }
0x5d: {  	_ =	shalt  }
0x5e: {  	_ =	shalt  }
0x5f: {  	_ =	shalt  }
0x60: {  	_ =	shalt  }
0x61: {  	_ =	shalt  }
0x62: {  	_ =	shalt  }
0x63: {  	_ =	shalt  }
0x64: {  	_ =	shalt  }
0x65: {  	_ =	shalt  }
0x66: {  	_ =	shalt  }
0x67: {  	_ =	shalt  }
0x68: {  	_ =	shalt  }
0x69: {  	_ =	shalt  }
0x6a: {  	_ =	shalt  }
0x6b: {  	_ =	shalt  }
0x6c: {  	_ =	shalt  }
0x6d: {  	_ =	shalt  }
0x6e: {  	_ =	shalt  }
0x6f: {  	_ =	shalt  }
0x70: {  	_ =	shalt  }
0x71: {  	_ =	shalt  }
0x72: {  	_ =	shalt  }
0x73: {  	_ =	shalt  }
0x74: {  	_ =	shalt  }
0x75: {  	_ =	shalt  }
0x76: {  	_ =	shalt  }
0x77: {  	_ =	shalt  }
0x78: {  	_ =	shalt  }
0x79: {  	_ =	shalt  }
0x7a: {  	_ =	shalt  }
0x7b: {  	_ =	shalt  }
0x7c: {  	_ =	shalt  }
0x7d: {  	_ =	shalt  }
0x7e: {  	_ =	shalt  }
0x7f: {  	_ =	shalt  }
0x80: {  	_ =	shalt  }
0x81: {  	_ =	shalt  }
0x82: {  	_ =	shalt  }
0x83: {  	_ =	shalt  }
0x84: {  	_ =	shalt  }
0x85: {  	_ =	shalt  }
0x86: {  	_ =	shalt  }
0x87: {  	_ =	shalt  }
.Lfunc_end0:
.L_simem_size_0:
called_computation_lowered:
.L_overlay_start_0:
0x88: {  	s2 =	sld [smem:$0x3FD9]  }
0x89: {  	s3 =	sld [smem:$0x3FFE];
	_ =	sdelay $0x1  }
0x8a: {  	s1 =	srdreg.scid  }
0x8b: {  	s0 =	sand.u32 $0x1, s1  }
0x8c: {  	s18 =	sshll.u32 s0, $0xA;
	s2 =	sadd.s32 s3, s2  }
0x8d: {  	s2 =	sadd.s32 s2, s18  }
0x8e: {  	[smem:$0x3FC6] =	sst s2  }
0x8f: {  	_ = 	snop  }
0x90: {  	s2 =	sld [smem:$0x3FC9]  }
0x91: {  	s19 =	sld [smem:$0x3FC8]  }
0x92: {  	s4 =	sld [smem:$0x3FD0];
	(tm) =	ssettm $0x1  }
0x93: {  	s5 =	sld [smem:$0x3FFB];
	_ =	sdelay $0x3  }
0x94: {  	_ =	strace s5  }
0x95: {  	s5 =	sld [smem:$0x3FFC];
	_ =	sdelay $0x3  }
0x96: {  	_ =	strace s5  }
0x97: {  	s5 =	sld [smem:$0x3FFD];
	_ =	sdelay $0x3  }
0x98: {  	_ =	strace s5  }
0x99: {  	_ =	strace $0x8FFFFFFF  }
0x9a: {  	s20 =	sld [smem:$0x3FDB];
	_ =	sdelay $0x1  }
0x9b: {  	s6 =	simm.s32 $_scs_section_size  }
0x9c: {  	s7 =	simm.s32 $_size__tile_overlayer_lowered;
	s8 =	simm.s32 $_tile_overlayer_lowered  }
0x9d: {  	s23 =	simm.s32 $0x1BFF;
	s22 =	sshll.u32 s8, $0x1;
	s5 =	sadd.s32 s6, s20  }
0x9e: {  	s9 =	simm.s32 $0x0;
	s21 =	sshll.u32 s7, $0x1;
	s7 =	sadd.s32 s22, s5  }
0x9f: {  	[timem:s9], [sflag:s23] =	dma.local [hbm:s7], s21  }
0xa0: {  	_ =	swait.ge [sflag:s23], s21  }
0xa1: {  	s6 =	ssub.s32 $0x0, s21;
	[sflag:s23] =	ssyncset.done $0x0  }
0xa2: {  	[sflag:s23] =	ssyncadd.s32 s6;
	_ =	sdelay $0x1  }
0xa3: {  	s24 =	simm.s32 $0x1B8B  }
0xa4: {  	_ =	swait.ge [sflag:s24], $0x1  }
0xa5: {  	[sflag:s24] =	ssyncset.done $0x0  }
0xa6: {  	s25 =	simm.s32 $0x1B8E;
	[sflag:s24] =	ssyncadd.s32 $0xFFFFFFFF  }
0xa7: {  	s26 =	simm.s32 $execute0_lowered;
	[smem:$0x3FD2] =	sst s25  }
0xa8: {  	s6 =	sshll.u32 s26, $0x1;
	_ =	strace $0x80000046;
	[dreg:$0x1] =	wrdreg $0xFFFFFFFF  }
0xa9: {  	s28 =	simm.s32 $_size_execute0_lowered;
	s5 =	sadd.s32 s5, s6;
	[dreg:$0x0] =	wrdreg $0x0  }
0xaa: {  	s6 =	sshll.u32 s28, $0x1;
	[dreg:$0x2] =	wrdreg s5  }
0xab: {  	[dreg:$0x3] =	wrdreg s6  }
0xac: {  	[dreg:$0x4] =	wrdreg $0xC0  }
0xad: {  	_ =	task [dreg:s9], $0x5FFFF  }
0xae: {  	[dreg:$0x1] =	wrdreg $0xFFFFFFFF  }
0xaf: {  	[dreg:$0x0] =	wrdreg $0x60  }
0xb0: {  	[dreg:$0x2] =	wrdreg s2  }
0xb1: {  	[dreg:$0x3] =	wrdreg s19  }
0xb2: {  	[dreg:$0x4] =	wrdreg s4  }
0xb3: {  	[dreg:$0x5] =	wrdreg $0x9  }
0xb4: {  	_ =	task.clear_ibuf [dreg:s9], $0x6FFFF;
	_ =	strace $0x90000046  }
0xb5: {  	s29 =	simm.s32 $0x9;
	_ =	strace $0x80000048  }
0xb6: {  	_ =	swait.ge [sflag:s29], $0x1  }
0xb7: {  	[sflag:s29] =	ssyncadd.s32 $0xFFFFFFFF  }
0xb8: {  	_ =	strace $0x90000048  }
0xb9: {  	_ =	sfence  }
0xba: {  	s30 =	sld [smem:$0x0];
	_ =	sdelay $0x2  }
0xbb: {  	s31 =	sshll.u32 s1, $0xD;
	s1 =	sshrl.u32 s1, $0x2  }
0xbc: {  	s3 =	sand.u32 $0x4000, s31;
	s1 =	sadd.s32 s1, s30  }
0xbd: {  	s0 =	sor.u32 s3, s0;
	s1 =	sshll.u32 s1, $0x11  }
0xbe: {  	s0 =	sor.u32 s1, s0  }
0xbf: {  	s0 =	sadd.s32 $0x8F2B, s0  }
0xc0: {  	[sflag:s0] =	ssyncadd.remote.s32 $0x1  }
0xc1: {  	_ =	sfence.sel $0xFFFF  }
0xc2: {  	[dreg:$0x0] =	wrdreg $0xFFFFFFFF;
	(pc) =	sbr.abs _section_cstart, $3  }
0xc3: {  	[dreg:$0x1] =	wrdreg $0xFFFFFFFF  }
0xc4: {  	_ =	task.clear_ibuf [dreg:s9], $0x2FFFF;
	_ =	strace $0x9FFFFFFF  }
0xc5: {  	(tm) =	ssettm $0x7FFFFFFF  }
tec
execute0_lowered:
.L_overlay_start_1:
0x0: {  	(tag) =	ssettag $0x1  }
0x1: {  	s5 =	rddreg [dreg:$0x0]  }
0x2: {  	s6 =	rddreg [dreg:$0x1]  }
0x3: {  	s8 =	rddreg [dreg:$0x2]  }
0x4: {  	s0 =	rddreg [dreg:$0x3];
	s2 =	simm.s32 $0x0;
	s3 =	srdreg.scid  }
0x5: {  	s1 =	stileid.u32;
	s11 =	simm.s32 $0x4000;
	s12 =	simm.s32 $0xC000  }
0x6: {  	s13 =	simm.s32 $0x1;
	s14 =	simm.s32 $0x3;
	s15 =	simm.s32 $0x10000  }
0x7: {  	s16 =	simm.s32 $0x2;
	s17 =	simm.s32 $0x4;
	s18 =	simm.s32 $0x14000  }
0x8: {  	s19 =	simm.s32 $0x5;
	s20 =	simm.s32 $0x6;
	s3 =	sand.u32 $0x1, s3  }
0x9: {  	s21 =	simm.s32 $0x0;
	[smem:$0x7FF] =	sst s2;
	s4 =	ssub.s32 $0x2, s3  }
0xa: {  	s7 =	sshll.u32 s1, $0xD;
	s3 =	sshll.u32 s3, $0xC;
	s9 =	sshrl.u32 s4, $0x1  }
0xb: {  	_ =	strace $0x80000047;
	s7 =	sor.u32 s3, s7;
	s9 =	ssub.s32 s4, s9  }
0xc: {  	s3 =	sadd.s32 s5, s7;
	s10 =	sor.u32 $0x800, s7;
	s4 =	sadd.s32 s6, s7  }
0xd: {  	s7 =	sadd.s32 s8, s7;
	s5 =	sadd.s32 s5, s10;
	s6 =	sadd.s32 s6, s10  }
0xe: {  	s8 =	sadd.s32 s8, s10;
	s9 =	smax.u32 s9, $0x1;
	s10 =	simm.s32 $0x8000  }
.LBB2_1:
0xf: {  	[tilespmem:s2], [sflag:$0x1] =	stream.linear.gather [hbm4b:s3+s2], $0x4000, $0x38;
	[tilespmem:$0x18000] =	vst v63  }
0x10: {  	_ = 	snop  }
0x11: {  	[tilespmem:s10], [sflag:$0x3] =	stream.linear.gather [hbm4b:s4+s2], $0x4000, $0x38;
	[tilespmem:$0x18000] =	vst v63  }
0x12: {  	_ = 	snop  }
0x13: {  	[tilespmem:s11], [sflag:$0x2] =	stream.linear.gather [hbm4b:s5+s2], $0x4000, $0x38;
	[tilespmem:$0x18000] =	vst v63  }
0x14: {  	_ = 	snop  }
0x15: {  	[tilespmem:s12], [sflag:$0x4] =	stream.linear.gather [hbm4b:s6+s2], $0x4000, $0x38;
	[tilespmem:$0x18000] =	vst v63  }
0x16: {  	_ =	swait.ge [sflag:s13], $0x4000  }
0x17: {  	[sflag:s13] =	ssyncset.done $0x0  }
0x18: {  	[sflag:s13] =	ssyncadd.s32 $0xFFFFC000  }
0x19: {  	_ =	swait.ge [sflag:s14], $0x4000  }
0x1a: {  	[sflag:s14] =	ssyncset.done $0x0  }
0x1b: {  	s22 =	simm.s32 $0x8040;
	[sflag:s14] =	ssyncadd.s32 $0xFFFFC000  }
0x1c: {  	v0 =	vld [tilespmem:s22+$0xFFFFFFD0]  }
0x1d: {  	s23 =	simm.s32 $0x40;
	v1 =	vld [tilespmem:s22+$0xFFFFFFC0]  }
0x1e: {  	v2 =	vld [tilespmem:s23+$0x0]  }
0x1f: {  	v3 =	vld [tilespmem:s23+$0x30]  }
0x20: {  	v4 =	vld [tilespmem:s23+$0xFFFFFFF0]  }
0x21: {  	v5 =	vld [tilespmem:s22+$0x30]  }
0x22: {  	v6 =	vld [tilespmem:s23+$0x20]  }
0x23: {  	v7 =	vld [tilespmem:s22+$0xFFFFFFF0]  }
0x24: {  	v8 =	vld [tilespmem:s22+$0x0]  }
0x25: {  	v9 =	vld [tilespmem:s23+$0xFFFFFFC0]  }
0x26: {  	v10 =	vld [tilespmem:s22+$0x10]  }
0x27: {  	v11 =	vld [tilespmem:s22+$0x20]  }
0x28: {  	v12 =	vld [tilespmem:s23+$0xFFFFFFE0]  }
0x29: {  	v13 =	vld [tilespmem:s22+$0xFFFFFFE0]  }
0x2a: {  	v14 =	vld [tilespmem:s23+$0xFFFFFFD0]  }
0x2b: {  	s24 =	simm.s32 $0xC0;
	v15 =	vld [tilespmem:s23+$0x10]  }
0x2c: {  	v18 =	vld [tilespmem:s24+$0x0]  }
0x2d: {  	s26 =	simm.s32 $0x140;
	v19 =	vld [tilespmem:s24+$0xFFFFFFF0]  }
0x2e: {  	s23 =	simm.s32 $0x80C0;
	v21 =	vld [tilespmem:s26+$0x20]  }
0x2f: {  	v17 =	vld [tilespmem:s23+$0xFFFFFFC0];
	v4 =	vsub.f32 v7, v4;
	v2 =	vsub.f32 v8, v2  }
0x30: {  	v20 =	vld [tilespmem:s23+$0xFFFFFFE0];
	v1 =	vsub.f32 v1, v9;
	v3 =	vsub.f32 v5, v3  }
0x31: {  	v7 =	vld [tilespmem:s24+$0x30];
	v5 =	vsub.f32 v13, v12;
	v0 =	vsub.f32 v0, v14  }
0x32: {  	v8 =	vld [tilespmem:s23+$0x30];
	v6 =	vsub.f32 v11, v6;
	v4 =	vmul.f32 $1.000000000e+01, v4;
	v2 =	vmul.f32 $1.000000000e+01, v2  }
0x33: {  	v12 =	vld [tilespmem:s23+$0xFFFFFFF0];
	v10 =	vsub.f32 v10, v15;
	v3 =	vmul.f32 $1.000000000e+01, v3;
	v5 =	vmul.f32 $1.000000000e+01, v5  }
0x34: {  	v13 =	vld [tilespmem:s24+$0xFFFFFFC0];
	v1 =	vmul.f32 $1.000000000e+01, v1;
	v0 =	vmul.f32 $1.000000000e+01, v0  }
0x35: {  	v15 =	vld [tilespmem:s24+$0xFFFFFFE0];
	v6 =	vmul.f32 $1.000000000e+01, v6;
	v10 =	vmul.f32 $1.000000000e+01, v10  }
0x36: {  	v16 =	vld [tilespmem:s23+$0xFFFFFFD0];
	v4 =	vmul.f32 $1.442695020e+00, v4;
	v5 =	vmul.f32 $1.442695020e+00, v5  }
0x37: {  	v11 =	vld [tilespmem:s23+$0x0];
	v0 =	vmul.f32 $1.442695020e+00, v0;
	v3 =	vmul.f32 $1.442695020e+00, v3  }
0x38: {  	v9 =	vld [tilespmem:s24+$0x20];
	v6 =	vmul.f32 $1.442695020e+00, v6;
	v2 =	vmul.f32 $1.442695020e+00, v2  }
0x39: {  	v14 =	vld [tilespmem:s23+$0x10];
	v10 =	vmul.f32 $1.442695020e+00, v10;
	v7 =	vsub.f32 v8, v7;
	v8 =	vsub.f32 v17, v13  }
0x3a: {  	v13 =	vsub.f32 v20, v15;
	v15 =	vld [tilespmem:s26+$0x0];
	(erf) = vpow2.f32 v3;
	v3 =	vsub.f32 v12, v19  }
0x3b: {  	v1 =	vmul.f32 $1.442695020e+00, v1;
	v12 =	vld [tilespmem:s24+$0xFFFFFFD0];
	(erf) = vpow2.f32 v0  }
0x3c: {  	v0 =	vsub.f32 v11, v18;
	(erf) = vpow2.f32 v2;
	v2 =	vmul.f32 $1.000000000e+01, v3;
	v3 =	vld [tilespmem:s24+$0x10]  }
0x3d: {  	s25 =	simm.s32 $0x8140;
	v19 =	vld [tilespmem:s23+$0x20];
	v7 =	vmul.f32 $1.000000000e+01, v7;
	v13 =	vmul.f32 $1.000000000e+01, v13  }
0x3e: {  	v17 =	vld [tilespmem:s25+$0xFFFFFFF0];
	(erf) = vpow2.f32 v5;
	v0 =	vmul.f32 $1.000000000e+01, v0  }
0x3f: {  	v11 =	vld [tilespmem:s25+$0xFFFFFFC0];
	v13 =	vmul.f32 $1.442695020e+00, v13;
	v7 =	vmul.f32 $1.442695020e+00, v7  }
0x40: {  	(erf) = vpow2.f32 v4;
	v4 =	vmul.f32 $1.000000000e+01, v8;
	v8 =	vld [tilespmem:s26+$0x30]  }
0x41: {  	v2 =	vmul.f32 $1.442695020e+00, v2;
	v12 =	vsub.f32 v16, v12;
	v16 =	vld [tilespmem:s26+$0xFFFFFFF0];
	v3 =	vsub.f32 v14, v3  }
0x42: {  	v9 =	vsub.f32 v19, v9;
	(erf) = vpow2.f32 v6;
	v6 =	vld [tilespmem:s25+$0x30];
	v0 =	vmul.f32 $1.442695020e+00, v0  }
0x43: {  	v19 =	vld [tilespmem:s25+$0x0];
	v12 =	vmul.f32 $1.000000000e+01, v12;
	v14 =	vpop (erf);
	v3 =	vmul.f32 $1.000000000e+01, v3  }
0x44: {  	v9 =	vmul.f32 $1.000000000e+01, v9;
	v18 =	vpop (erf);
	(erf) = vpow2.f32 v1;
	v1 =	vld [tilespmem:s26+$0xFFFFFFC0]  }
0x45: {  	v12 =	vmul.f32 $1.442695020e+00, v12;
	v22 =	vmul.f32 $1.442695020e+00, v3;
	v3 =	vld [tilespmem:s25+$0x20]  }
0x46: {  	v20 =	vpop (erf);
	(erf) = vpow2.f32 v10;
	v10 =	vmul.f32 $1.442695020e+00, v4;
	v4 =	vadd.f32 $1.000000000e+00, v18;
	v18 =	vld [tilespmem:s25+$0xFFFFFFE0]  }
0x47: {  	v16 =	vsub.f32 v17, v16;
	v20 =	vadd.f32 $1.000000000e+00, v20;
	(erf) = vpow2.f32 v7;
	v7 =	vld [tilespmem:s26+$0xFFFFFFE0]  }
0x48: {  	v5 =	vld [tilespmem:s25+$0xFFFFFFD0];
	v9 =	vmul.f32 $1.442695020e+00, v9;
	v15 =	vsub.f32 v19, v15;
	v6 =	vsub.f32 v6, v8  }
0x49: {  	v8 =	vmul.f32 $1.000000000e+01, v16;
	(erf) = vrcp.f32 v20;
	v1 =	vsub.f32 v11, v1;
	v11 =	vld [tilespmem:s26+$0xFFFFFFD0]  }
0x4a: {  	v14 =	vadd.f32 $1.000000000e+00, v14;
	v17 =	vmul.f32 $1.000000000e+01, v15;
	(erf) = vpow2.f32 v12  }
0x4b: {  	v6 =	vmul.f32 $1.000000000e+01, v6;
	v12 =	vpop (erf);
	(erf) = vpow2.f32 v0;
	v15 =	vsub.f32 v3, v21  }
0x4c: {  	v0 =	vpop (erf);
	v3 =	vmul.f32 $1.442695020e+00, v8;
	(erf) = vpow2.f32 v13;
	v13 =	vld [tilespmem:s25+$0x10];
	v7 =	vsub.f32 v18, v7  }
0x4d: {  	s30 =	simm.s32 $0x81C0;
	v16 =	vadd.f32 $1.000000000e+00, v0;
	v18 =	vmul.f32 $1.000000000e+01, v1;
	(erf) = vrcp.f32 v4;
	v4 =	vld [tilespmem:s26+$0x10]  }
0x4e: {  	s31 =	simm.s32 $0x1C0;
	v24 =	vld [tilespmem:s30+$0xFFFFFFF0];
	v8 =	vpop (erf);
	(erf) = vrcp.f32 v14;
	v7 =	vmul.f32 $1.000000000e+01, v7;
	v1 =	vsub.f32 v5, v11  }
0x4f: {  	v25 =	vld [tilespmem:s31+$0xFFFFFFC0];
	v8 =	vadd.f32 $1.000000000e+00, v8;
	(erf) = vpow2.f32 v2;
	v2 =	vpop (erf);
	v5 =	vmul.f32 $1.000000000e+01, v15  }
0x50: {  	v26 =	vld [tilespmem:s31+$0x20];
	v11 =	vpop (erf);
	(erf) = vrcp.f32 v16;
	v2 =	vadd.f32 $1.000000000e+00, v2;
	v1 =	vmul.f32 $1.000000000e+01, v1  }
0x51: {  	v29 =	vld [tilespmem:s30+$0x20];
	v7 =	vmul.f32 $1.442695020e+00, v7;
	v15 =	vpop (erf);
	(erf) = vpow2.f32 v9;
	v9 =	vadd.f32 $1.000000000e+00, v12  }
0x52: {  	v19 =	vld [tilespmem:s31+$0x0];
	v20 =	vpop (erf);
	(erf) = vrcp.f32 v8;
	v8 =	vsub.f32 v13, v4;
	v4 =	vmul.f32 $1.442695020e+00, v5  }
0x53: {  	v14 =	vld [tilespmem:s30+$0xFFFFFFC0];
	v21 =	vpop (erf);
	v23 =	vmul.f32 $1.442695020e+00, v1;
	(erf) = vrcp.f32 v2  }
0x54: {  	v12 =	vld [tilespmem:s31+$0xFFFFFFF0];
	v2 =	vadd.f32 $1.000000000e+00, v11;
	v8 =	vmul.f32 $1.000000000e+01, v8;
	v1 =	vpop (erf);
	(erf) = vrcp.f32 v9  }
0x55: {  	v11 =	vmul.f32 $1.442695020e+00, v6;
	v9 =	vld [tilespmem:s30+$0x0];
	v5 =	vpop (erf);
	(erf) = vpow2.f32 v10  }
0x56: {  	v16 =	vld [tilespmem:s31+$0x30];
	v27 =	vadd.f32 $1.000000000e+00, v1;
	v1 =	vmul.f32 $1.442695020e+00, v8;
	v10 =	vpop (erf);
	(erf) = vrcp.f32 v2  }
0x57: {  	v13 =	vld [tilespmem:s30+$0x30];
	v8 =	vmul.f32 $1.442695020e+00, v17;
	v28 =	vpop (erf);
	(erf) = vpow2.f32 v22  }
0x58: {  	v0 =	vld [tilespmem:s30+$0xFFFFFFD0];
	s25 =	simm.s32 $0x10040;
	v15 =	vadd.f32 $1.000000000e+00, v15;
	v21 =	vadd.f32 $1.000000000e+00, v21;
	v22 =	vpop (erf);
	(erf) = vpow2.f32 v11  }
0x59: {  	v6 =	vadd.f32 $1.000000000e+00, v5;
	[tilespmem:s25+$0xFFFFFFD0] =	vst v10;
	v10 =	vsub.f32 v24, v12;
	v12 =	vld [tilespmem:s30+$0xFFFFFFE0];
	(erf) = vrcp.f32 v27;
	v17 =	vpop (erf)  }
0x5a: {  	[tilespmem:s25+$0x0] =	vst v20;
	v5 =	vmul.f32 $1.442695020e+00, v18;
	v11 =	vld [tilespmem:s31+$0xFFFFFFE0];
	v63 =	vsub.f32 v9, v19;
	(erf) = vpow2.f32 v23;
	v20 =	vpop (erf)  }
0x5b: {  	v18 =	vld [tilespmem:s31+$0xFFFFFFD0];
	[tilespmem:s25+$0x30] =	vst v28;
	v9 =	vsub.f32 v14, v25;
	v19 =	vadd.f32 $1.000000000e+00, v22;
	(erf) = vpow2.f32 v8;
	v8 =	vpop (erf)  }
0x5c: {  	s28 =	simm.s32 $0x8240;
	s29 =	simm.s32 $0x240;
	s22 =	simm.s32 $0x10140;
	v2 =	vld [tilespmem:s30+$0x10];
	[tilespmem:s25+$0xFFFFFFF0] =	vst v17;
	v17 =	vsub.f32 v13, v16;
	v16 =	vmul.f32 $1.000000000e+01, v10;
	(erf) = vpow2.f32 v7;
	v13 =	vpop (erf)  }
0x5d: {  	s23 =	simm.s32 $0x10140;
	s24 =	simm.s32 $0x100C0;
	s26 =	simm.s32 $0x180;
	v14 =	vsub.f32 v29, v26;
	v10 =	vld [tilespmem:s31+$0x10];
	v7 =	vmul.f32 $1.000000000e+01, v63;
	(erf) = vrcp.f32 v21;
	[tilespmem:s25+$0xFFFFFFC0] =	vst v13;
	v13 =	vpop (erf)  }
.LBB2_2:
0x5e: {  	v21 =	vld [tilespmem:s28+$0xFFFFFFD0];
	s26 =	sadd.s32 $0x80, s26;
	v16 =	vmul.f32 $1.442695020e+00, v16;
	s22 =	sadd.s32 $0x80, s22;
	v20 =	vadd.f32 $1.000000000e+00, v20;
	v22 =	vpop (erf);
	(erf) = vrcp.f32 v15;
	[tilespmem:s25+$0xFFFFFFE0] =	vst v13  }
0x5f: {  	v13 =	vld [tilespmem:s28+$0xFFFFFFC0];
	p0 =	slt.u32 s26, $0x3F80;
	v23 =	vsub.f32 v12, v11;
	v12 =	vmul.f32 $1.000000000e+01, v17;
	(erf) = vpow2.f32 v3;
	[tilespmem:s25+$0x20] =	vst v8;
	v3 =	vpop (erf)  }
0x60: {  	v9 =	vmul.f32 $1.000000000e+01, v9;
	v14 =	vmul.f32 $1.000000000e+01, v14;
	v8 =	vld [tilespmem:s29+$0x0];
	v26 =	vsub.f32 v0, v18;
	v15 =	vpop (erf);
	[tilespmem:s25+$0x10] =	vst v3;
	s25 =	smov.u32 s24;
	s24 =	smov.u32 s23;
	s23 =	smov.u32 s22  }
0x61: {  	v18 =	vadd.f32 $1.000000000e+00, v22;
	v17 =	vld [tilespmem:s29+$0x30];
	v3 =	vmul.f32 $1.000000000e+01, v23;
	v11 =	vpop (erf);
	(erf) = vrcp.f32 v19  }
0x62: {  	v19 =	vld [tilespmem:s29+$0xFFFFFFF0];
	v25 =	vmul.f32 $1.000000000e+01, v26;
	v2 =	vsub.f32 v2, v10;
	(erf) = vpow2.f32 v4;
	v0 =	vpop (erf)  }
0x63: {  	v10 =	vld [tilespmem:s28+$0x30];
	v23 =	vmul.f32 $1.442695020e+00, v3;
	v24 =	vpop (erf);
	[tilespmem:s25+$0x0] =	vst v0;
	(erf) = vrcp.f32 v20;
	v0 =	vmov v21  }
0x64: {  	v15 =	vadd.f32 $1.000000000e+00, v15;
	v21 =	vld [tilespmem:s29+$0x20];
	v20 =	vmul.f32 $1.442695020e+00, v25;
	v22 =	vpop (erf);
	(erf) = vrcp.f32 v18  }
0x65: {  	v4 =	vmul.f32 $1.442695020e+00, v14;
	v18 =	vld [tilespmem:s28+$0xFFFFFFF0];
	v14 =	vpop (erf);
	(erf) = vrcp.f32 v6;
	v3 =	vmov v16  }
0x66: {  	v25 =	vmul.f32 $1.000000000e+01, v2;
	v24 =	vadd.f32 $1.000000000e+00, v24;
	v16 =	vld [tilespmem:s28+$0x0];
	(erf) = vpow2.f32 v5;
	v2 =	vpop (erf)  }
0x67: {  	v12 =	vmul.f32 $1.442695020e+00, v12;
	v22 =	vadd.f32 $1.000000000e+00, v22;
	v26 =	vld [tilespmem:s29+$0xFFFFFFC0];
	[tilespmem:s25+$0xFFFFFFD0] =	vst v2;
	(erf) = vrcp.f32 v15;
	v27 =	vpop (erf)  }
0x68: {  	v6 =	vadd.f32 $1.000000000e+00, v14;
	v2 =	vld [tilespmem:s28+$0x10];
	v14 =	vpop (erf);
	(erf) = vpow2.f32 v1;
	v1 =	vmul.f32 $1.442695020e+00, v25  }
0x69: {  	v5 =	vmul.f32 $1.442695020e+00, v9;
	v15 =	vadd.f32 $1.000000000e+00, v11;
	v25 =	vld [tilespmem:s28+$0x20];
	(erf) = vpow2.f32 v12  }
.Ltmp0:
0x6a: {  	v7 =	vmul.f32 $1.442695020e+00, v7;
	v11 =	vld [tilespmem:s29+$0xFFFFFFE0];
	(erf) = vrcp.f32 v22;
	v9 =	vpop (erf);
	(pc) =	sbr.rel @p0 .LBB2_2-.Ltmp0, $4  }
0x6b: {  	v19 =	vsub.f32 v18, v19;
	v12 =	vld [tilespmem:s28+$0xFFFFFFE0];
	v22 =	vsub.f32 v16, v8;
	(erf) = vpow2.f32 v20;
	v20 =	vpop (erf);
	[tilespmem:s25+$0xFFFFFFF0] =	vst v9  }
0x6c: {  	v17 =	vsub.f32 v10, v17;
	v9 =	vsub.f32 v13, v26;
	v18 =	vld [tilespmem:s29+$0xFFFFFFD0];
	(erf) = vpow2.f32 v7;
	v8 =	vpop (erf)  }
0x6d: {  	v16 =	vmul.f32 $1.000000000e+01, v19;
	v19 =	vadd.f32 $1.000000000e+00, v14;
	(erf) = vpow2.f32 v23;
	[tilespmem:s25+$0x30] =	vst v27;
	v13 =	vpop (erf)  }
0x6e: {  	s28 =	sadd.s32 $0x80, s28;
	v7 =	vmul.f32 $1.000000000e+01, v22;
	v10 =	vld [tilespmem:s29+$0x10];
	v14 =	vsub.f32 v25, v21;
	s29 =	sadd.s32 $0x80, s29;
	(erf) = vrcp.f32 v24;
	[tilespmem:s25+$0xFFFFFFC0] =	vst v13;
	v13 =	vpop (erf)  }
0x6f: {  	v21 =	vpop (erf);
	(erf) = vrcp.f32 v15  }
0x70: {  	v15 =	vadd.f32 $1.000000000e+00, v20;
	(erf) = vpow2.f32 v3;
	v3 =	vpop (erf)  }
0x71: {  	v20 =	vpop (erf);
	(erf) = vrcp.f32 v19  }
0x72: {  	v21 =	vadd.f32 $1.000000000e+00, v21;
	v19 =	vpop (erf);
	(erf) = vpow2.f32 v4  }
0x73: {  	v0 =	vsub.f32 v0, v18;
	v4 =	vpop (erf);
	(erf) = vrcp.f32 v15  }
0x74: {  	v17 =	vmul.f32 $1.000000000e+01, v17;
	v15 =	vpop (erf);
	(erf) = vrcp.f32 v21  }
0x75: {  	v20 =	vadd.f32 $1.000000000e+00, v20;
	v0 =	vmul.f32 $1.000000000e+01, v0;
	v18 =	vpop (erf);
	(erf) = vrcp.f32 v6  }
0x76: {  	v6 =	vsub.f32 v12, v11;
	v12 =	vmul.f32 $1.442695020e+00, v17;
	v11 =	vpop (erf);
	(erf) = vpow2.f32 v5  }
0x77: {  	v0 =	vmul.f32 $1.442695020e+00, v0;
	v5 =	vpop (erf);
	(erf) = vrcp.f32 v20  }
0x78: {  	v17 =	vadd.f32 $1.000000000e+00, v18;
	v6 =	vmul.f32 $1.000000000e+01, v6;
	v18 =	vpop (erf);
	(erf) = vpow2.f32 v1  }
0x79: {  	v7 =	vmul.f32 $1.442695020e+00, v7;
	v1 =	vpop (erf);
	(erf) = vpow2.f32 v12  }
0x7a: {  	v6 =	vmul.f32 $1.442695020e+00, v6;
	(erf) = vrcp.f32 v17  }
0x7b: {  	v15 =	vadd.f32 $1.000000000e+00, v15;
	v12 =	vpop (erf);
	(erf) = vpow2.f32 v0  }
0x7c: {  	v0 =	vpop (erf);
	(erf) = vpow2.f32 v7  }
0x7d: {  	v16 =	vmul.f32 $1.442695020e+00, v16;
	v17 =	vadd.f32 $1.000000000e+00, v19;
	v7 =	vpop (erf);
	(erf) = vpow2.f32 v6  }
0x7e: {  	v14 =	vmul.f32 $1.000000000e+01, v14;
	v6 =	vpop (erf);
	(erf) = vrcp.f32 v15  }
0x7f: {  	v1 =	vadd.f32 $1.000000000e+00, v1;
	v15 =	vpop (erf);
	(erf) = vrcp.f32 v17  }
0x80: {  	v14 =	vmul.f32 $1.442695020e+00, v14;
	v19 =	vpop (erf);
	(erf) = vpow2.f32 v16  }
0x81: {  	v16 =	vpop (erf);
	(erf) = vrcp.f32 v1;
	v1 =	vmul.f32 $1.000000000e+01, v9  }
0x82: {  	v2 =	vsub.f32 v2, v10;
	v0 =	vadd.f32 $1.000000000e+00, v0;
	v17 =	vpop (erf)  }
0x83: {  	v10 =	vadd.f32 $1.000000000e+00, v11;
	v19 =	vadd.f32 $1.000000000e+00, v19;
	v9 =	vpop (erf);
	(erf) = vpow2.f32 v14  }
0x84: {  	v2 =	vmul.f32 $1.000000000e+01, v2;
	v11 =	vpop (erf);
	(erf) = vrcp.f32 v0  }
0x85: {  	[tilespmem:s25+$0xFFFFFFE0] =	vst v13;
	v0 =	vmul.f32 $1.442695020e+00, v1;
	v1 =	vpop (erf);
	(erf) = vrcp.f32 v19  }
0x86: {  	[tilespmem:s25+$0x20] =	vst v8;
	v8 =	vadd.f32 $1.000000000e+00, v17;
	v13 =	vpop (erf);
	(erf) = vrcp.f32 v10  }
0x87: {  	[tilespmem:s25+$0x10] =	vst v3;
	v10 =	vpop (erf);
	(erf) = vpow2.f32 v0;
	v0 =	vmul.f32 $1.442695020e+00, v2  }
0x88: {  	[tilespmem:s24+$0x0] =	vst v4;
	v2 =	vpop (erf);
	(erf) = vrcp.f32 v8  }
0x89: {  	[tilespmem:s24+$0xFFFFFFD0] =	vst v5;
	v3 =	vpop (erf);
	(erf) = vpow2.f32 v0  }
0x8a: {  	[tilespmem:s24+$0x30] =	vst v18;
	v5 =	vadd.f32 $1.000000000e+00, v13;
	v4 =	vpop (erf)  }
0x8b: {  	[tilespmem:s24+$0xFFFFFFF0] =	vst v12;
	v1 =	vadd.f32 $1.000000000e+00, v1;
	v0 =	vpop (erf)  }
0x8c: {  	[tilespmem:s24+$0x20] =	vst v7;
	v8 =	vpop (erf)  }
0x8d: {  	[tilespmem:s24+$0xFFFFFFC0] =	vst v6;
	v4 =	vadd.f32 $1.000000000e+00, v4;
	v6 =	vpop (erf)  }
0x8e: {  	[tilespmem:s24+$0xFFFFFFE0] =	vst v15;
	v9 =	vadd.f32 $1.000000000e+00, v9;
	(erf) = vrcp.f32 v5;
	v5 =	vpop (erf)  }
0x8f: {  	[tilespmem:s24+$0x10] =	vst v16;
	(erf) = vrcp.f32 v1;
	v1 =	vpop (erf)  }
0x90: {  	[tilespmem:s23+$0x0] =	vst v11;
	v7 =	vadd.f32 $1.000000000e+00, v8;
	(erf) = vrcp.f32 v9;
	v8 =	vpop (erf)  }
0x91: {  	[tilespmem:s23+$0xFFFFFFD0] =	vst v2;
	(erf) = vrcp.f32 v4;
	v8 =	vadd.f32 $1.000000000e+00, v8;
	v4 =	vpop (erf)  }
0x92: {  	v2 =	vadd.f32 $1.000000000e+00, v10;
	[tilespmem:s23+$0xFFFFFFF0] =	vst v0;
	(erf) = vrcp.f32 v7;
	v0 =	vpop (erf)  }
0x93: {  	[tilespmem:s23+$0x30] =	vst v3;
	(erf) = vrcp.f32 v8;
	v0 =	vadd.f32 $1.000000000e+00, v0  }
0x94: {  	[tilespmem:s23+$0x20] =	vst v6;
	(erf) = vrcp.f32 v2  }
0x95: {  	[tilespmem:s23+$0xFFFFFFC0] =	vst v5;
	(erf) = vrcp.f32 v0  }
0x96: {  	[tilespmem:s23+$0xFFFFFFE0] =	vst v1  }
0x97: {  	s22 =	sadd.s32 $0x80, s22;
	[tilespmem:s23+$0x10] =	vst v4;
	v0 =	vpop (erf)  }
0x98: {  	v1 =	vpop (erf);
	[tilespmem:s22+$0x0] =	vst v0  }
0x99: {  	v0 =	vpop (erf);
	[tilespmem:s22+$0xFFFFFFD0] =	vst v1  }
0x9a: {  	v1 =	vpop (erf);
	[tilespmem:s22+$0x30] =	vst v0  }
0x9b: {  	[tilespmem:s22+$0xFFFFFFF0] =	vst v1;
	v1 =	vpop (erf)  }
0x9c: {  	v0 =	vpop (erf);
	[tilespmem:s22+$0x20] =	vst v1  }
0x9d: {  	[tilespmem:s22+$0xFFFFFFC0] =	vst v0;
	v0 =	vpop (erf)  }
0x9e: {  	[tilespmem:s22+$0xFFFFFFE0] =	vst v0;
	v0 =	vpop (erf)  }
0x9f: {  	[tilespmem:s22+$0x10] =	vst v0  }
0xa0: {  	[hbm4b:s7+s2] =	stream.linear.scatter [tilespmem:s15], [sflag:$0x5], $0x4000, $0x38;
	[tilespmem:$0x18000] =	vst v63  }
0xa1: {  	_ =	swait.ge [sflag:s16], $0x4000  }
0xa2: {  	[sflag:s16] =	ssyncset.done $0x0  }
0xa3: {  	[sflag:s16] =	ssyncadd.s32 $0xFFFFC000  }
0xa4: {  	_ =	swait.ge [sflag:s17], $0x4000  }
0xa5: {  	[sflag:s17] =	ssyncset.done $0x0  }
0xa6: {  	s30 =	simm.s32 $0xC040;
	[sflag:s17] =	ssyncadd.s32 $0xFFFFC000  }
0xa7: {  	v0 =	vld [tilespmem:s30+$0xFFFFFFD0]  }
0xa8: {  	s31 =	simm.s32 $0x4040;
	v1 =	vld [tilespmem:s30+$0xFFFFFFC0]  }
0xa9: {  	v2 =	vld [tilespmem:s31+$0x0]  }
0xaa: {  	v3 =	vld [tilespmem:s31+$0x30]  }
0xab: {  	v4 =	vld [tilespmem:s31+$0xFFFFFFF0]  }
0xac: {  	v5 =	vld [tilespmem:s30+$0x30]  }
0xad: {  	v6 =	vld [tilespmem:s31+$0x20]  }
0xae: {  	v7 =	vld [tilespmem:s30+$0xFFFFFFF0]  }
0xaf: {  	v8 =	vld [tilespmem:s30+$0x0]  }
0xb0: {  	v9 =	vld [tilespmem:s31+$0xFFFFFFC0]  }
0xb1: {  	v10 =	vld [tilespmem:s30+$0x10]  }
0xb2: {  	v11 =	vld [tilespmem:s30+$0x20]  }
0xb3: {  	v12 =	vld [tilespmem:s31+$0xFFFFFFE0]  }
0xb4: {  	v13 =	vld [tilespmem:s30+$0xFFFFFFE0]  }
0xb5: {  	v14 =	vld [tilespmem:s31+$0xFFFFFFD0]  }
0xb6: {  	s23 =	simm.s32 $0xC0C0;
	v15 =	vld [tilespmem:s31+$0x10]  }
0xb7: {  	v16 =	vld [tilespmem:s23+$0xFFFFFFD0]  }
0xb8: {  	s24 =	simm.s32 $0x40C0;
	v17 =	vld [tilespmem:s23+$0xFFFFFFC0]  }
0xb9: {  	v18 =	vld [tilespmem:s24+$0x0]  }
0xba: {  	v19 =	vld [tilespmem:s24+$0xFFFFFFF0]  }
0xbb: {  	s26 =	simm.s32 $0x4140;
	v20 =	vld [tilespmem:s23+$0xFFFFFFE0];
	v4 =	vsub.f32 v7, v4;
	v2 =	vsub.f32 v8, v2  }
0xbc: {  	v21 =	vld [tilespmem:s26+$0x20];
	v1 =	vsub.f32 v1, v9;
	v3 =	vsub.f32 v5, v3  }
0xbd: {  	v7 =	vld [tilespmem:s24+$0x30];
	v5 =	vsub.f32 v13, v12;
	v0 =	vsub.f32 v0, v14  }
0xbe: {  	v8 =	vld [tilespmem:s23+$0x30];
	v6 =	vsub.f32 v11, v6;
	v4 =	vmul.f32 $1.000000000e+01, v4;
	v2 =	vmul.f32 $1.000000000e+01, v2  }
0xbf: {  	v13 =	vld [tilespmem:s24+$0xFFFFFFC0];
	v10 =	vsub.f32 v10, v15;
	v3 =	vmul.f32 $1.000000000e+01, v3;
	v5 =	vmul.f32 $1.000000000e+01, v5  }
0xc0: {  	v15 =	vld [tilespmem:s24+$0xFFFFFFE0];
	v1 =	vmul.f32 $1.000000000e+01, v1;
	v0 =	vmul.f32 $1.000000000e+01, v0  }
0xc1: {  	v9 =	vld [tilespmem:s24+$0x20];
	v6 =	vmul.f32 $1.000000000e+01, v6;
	v10 =	vmul.f32 $1.000000000e+01, v10  }
0xc2: {  	v12 =	vld [tilespmem:s23+$0xFFFFFFF0];
	v4 =	vmul.f32 $1.442695020e+00, v4;
	v5 =	vmul.f32 $1.442695020e+00, v5  }
0xc3: {  	v11 =	vld [tilespmem:s23+$0x0];
	v0 =	vmul.f32 $1.442695020e+00, v0;
	v3 =	vmul.f32 $1.442695020e+00, v3  }
0xc4: {  	v14 =	vld [tilespmem:s23+$0x10];
	v6 =	vmul.f32 $1.442695020e+00, v6;
	v2 =	vmul.f32 $1.442695020e+00, v2;
	v7 =	vsub.f32 v8, v7  }
0xc5: {  	s25 =	simm.s32 $0xC140;
	v10 =	vmul.f32 $1.442695020e+00, v10;
	v8 =	vsub.f32 v17, v13;
	v13 =	vsub.f32 v20, v15;
	v15 =	vld [tilespmem:s26+$0x0]  }
0xc6: {  	v1 =	vmul.f32 $1.442695020e+00, v1;
	v17 =	vld [tilespmem:s25+$0xFFFFFFF0];
	(erf) = vpow2.f32 v3  }
0xc7: {  	v3 =	vsub.f32 v12, v19;
	v12 =	vld [tilespmem:s24+$0xFFFFFFD0];
	(erf) = vpow2.f32 v0;
	v7 =	vmul.f32 $1.000000000e+01, v7  }
0xc8: {  	v19 =	vld [tilespmem:s23+$0x20];
	v0 =	vsub.f32 v11, v18;
	v13 =	vmul.f32 $1.000000000e+01, v13;
	(erf) = vpow2.f32 v2  }
0xc9: {  	v2 =	vmul.f32 $1.000000000e+01, v3;
	v3 =	vld [tilespmem:s24+$0x10];
	(erf) = vpow2.f32 v5  }
0xca: {  	v11 =	vld [tilespmem:s25+$0xFFFFFFC0];
	v0 =	vmul.f32 $1.000000000e+01, v0;
	v13 =	vmul.f32 $1.442695020e+00, v13  }
0xcb: {  	(erf) = vpow2.f32 v4;
	v4 =	vmul.f32 $1.000000000e+01, v8;
	v8 =	vld [tilespmem:s26+$0x30]  }
0xcc: {  	v7 =	vmul.f32 $1.442695020e+00, v7;
	v2 =	vmul.f32 $1.442695020e+00, v2;
	v12 =	vsub.f32 v16, v12;
	v16 =	vld [tilespmem:s26+$0xFFFFFFF0]  }
0xcd: {  	v9 =	vsub.f32 v19, v9;
	(erf) = vpow2.f32 v6;
	v19 =	vld [tilespmem:s25+$0x0];
	v0 =	vmul.f32 $1.442695020e+00, v0  }
0xce: {  	v6 =	vld [tilespmem:s25+$0x30];
	(erf) = vpow2.f32 v1;
	v12 =	vmul.f32 $1.000000000e+01, v12;
	v3 =	vsub.f32 v14, v3  }
0xcf: {  	v1 =	vld [tilespmem:s26+$0xFFFFFFC0];
	v9 =	vmul.f32 $1.000000000e+01, v9;
	(erf) = vpow2.f32 v10  }
0xd0: {  	v5 =	vld [tilespmem:s25+$0xFFFFFFD0];
	v10 =	vmul.f32 $1.442695020e+00, v4;
	v14 =	vpop (erf);
	v3 =	vmul.f32 $1.000000000e+01, v3  }
0xd1: {  	(erf) = vpow2.f32 v7;
	v7 =	vld [tilespmem:s26+$0xFFFFFFE0];
	v12 =	vmul.f32 $1.442695020e+00, v12;
	v18 =	vpop (erf)  }
0xd2: {  	v16 =	vsub.f32 v17, v16;
	v15 =	vsub.f32 v19, v15;
	v20 =	vpop (erf);
	v22 =	vmul.f32 $1.442695020e+00, v3;
	v3 =	vld [tilespmem:s25+$0x20]  }
0xd3: {  	v9 =	vmul.f32 $1.442695020e+00, v9;
	v4 =	vadd.f32 $1.000000000e+00, v18;
	v18 =	vld [tilespmem:s25+$0xFFFFFFE0];
	v20 =	vadd.f32 $1.000000000e+00, v20  }
0xd4: {  	v6 =	vsub.f32 v6, v8;
	v1 =	vsub.f32 v11, v1;
	v11 =	vld [tilespmem:s26+$0xFFFFFFD0];
	v8 =	vmul.f32 $1.000000000e+01, v16  }
0xd5: {  	v17 =	vmul.f32 $1.000000000e+01, v15;
	(erf) = vrcp.f32 v20  }
0xd6: {  	v14 =	vadd.f32 $1.000000000e+00, v14;
	v6 =	vmul.f32 $1.000000000e+01, v6;
	(erf) = vpow2.f32 v12  }
0xd7: {  	(erf) = vpow2.f32 v0;
	v15 =	vsub.f32 v3, v21;
	v3 =	vmul.f32 $1.442695020e+00, v8  }
0xd8: {  	v12 =	vpop (erf);
	v7 =	vsub.f32 v18, v7;
	v18 =	vmul.f32 $1.000000000e+01, v1;
	(erf) = vpow2.f32 v13;
	v13 =	vld [tilespmem:s25+$0x10]  }
0xd9: {  	s30 =	simm.s32 $0xC1C0;
	v0 =	vpop (erf);
	v1 =	vsub.f32 v5, v11;
	(erf) = vrcp.f32 v4;
	v4 =	vld [tilespmem:s26+$0x10];
	v5 =	vmul.f32 $1.000000000e+01, v15  }
0xda: {  	s31 =	simm.s32 $0x41C0;
	v24 =	vld [tilespmem:s30+$0xFFFFFFF0];
	v16 =	vadd.f32 $1.000000000e+00, v0;
	v8 =	vpop (erf);
	v7 =	vmul.f32 $1.000000000e+01, v7;
	(erf) = vrcp.f32 v14  }
0xdb: {  	v25 =	vld [tilespmem:s31+$0xFFFFFFC0];
	v1 =	vmul.f32 $1.000000000e+01, v1;
	(erf) = vpow2.f32 v2;
	v2 =	vpop (erf)  }
0xdc: {  	v26 =	vld [tilespmem:s31+$0x20];
	v8 =	vadd.f32 $1.000000000e+00, v8;
	v7 =	vmul.f32 $1.442695020e+00, v7;
	v11 =	vpop (erf);
	(erf) = vrcp.f32 v16  }
0xdd: {  	v29 =	vld [tilespmem:s30+$0x20];
	v23 =	vmul.f32 $1.442695020e+00, v1;
	v2 =	vadd.f32 $1.000000000e+00, v2;
	v15 =	vpop (erf);
	(erf) = vpow2.f32 v9  }
0xde: {  	v19 =	vld [tilespmem:s31+$0x0];
	v9 =	vadd.f32 $1.000000000e+00, v12;
	v20 =	vpop (erf);
	(erf) = vrcp.f32 v8;
	v8 =	vsub.f32 v13, v4  }
0xdf: {  	v14 =	vld [tilespmem:s30+$0xFFFFFFC0];
	v4 =	vmul.f32 $1.442695020e+00, v5;
	v21 =	vpop (erf);
	(erf) = vrcp.f32 v2  }
0xe0: {  	v12 =	vld [tilespmem:s31+$0xFFFFFFF0];
	v2 =	vadd.f32 $1.000000000e+00, v11;
	v1 =	vpop (erf);
	(erf) = vrcp.f32 v9;
	v8 =	vmul.f32 $1.000000000e+01, v8  }
0xe1: {  	v11 =	vmul.f32 $1.442695020e+00, v6;
	v9 =	vld [tilespmem:s30+$0x0];
	v5 =	vpop (erf);
	(erf) = vpow2.f32 v10  }
0xe2: {  	v16 =	vld [tilespmem:s31+$0x30];
	v27 =	vadd.f32 $1.000000000e+00, v1;
	v10 =	vpop (erf);
	(erf) = vrcp.f32 v2;
	v1 =	vmul.f32 $1.442695020e+00, v8  }
0xe3: {  	v13 =	vld [tilespmem:s30+$0x30];
	v8 =	vmul.f32 $1.442695020e+00, v17;
	v28 =	vpop (erf);
	(erf) = vpow2.f32 v22  }
0xe4: {  	v0 =	vld [tilespmem:s30+$0xFFFFFFD0];
	s25 =	simm.s32 $0x14040;
	v15 =	vadd.f32 $1.000000000e+00, v15;
	v21 =	vadd.f32 $1.000000000e+00, v21;
	v22 =	vpop (erf);
	(erf) = vpow2.f32 v11  }
0xe5: {  	v6 =	vadd.f32 $1.000000000e+00, v5;
	[tilespmem:s25+$0xFFFFFFD0] =	vst v10;
	v10 =	vsub.f32 v24, v12;
	v12 =	vld [tilespmem:s30+$0xFFFFFFE0];
	(erf) = vrcp.f32 v27;
	v17 =	vpop (erf)  }
0xe6: {  	[tilespmem:s25+$0x0] =	vst v20;
	v5 =	vmul.f32 $1.442695020e+00, v18;
	v11 =	vld [tilespmem:s31+$0xFFFFFFE0];
	v63 =	vsub.f32 v9, v19;
	(erf) = vpow2.f32 v23;
	v20 =	vpop (erf)  }
0xe7: {  	v18 =	vld [tilespmem:s31+$0xFFFFFFD0];
	[tilespmem:s25+$0x30] =	vst v28;
	v9 =	vsub.f32 v14, v25;
	v19 =	vadd.f32 $1.000000000e+00, v22;
	(erf) = vpow2.f32 v8;
	v8 =	vpop (erf)  }
0xe8: {  	s28 =	simm.s32 $0xC240;
	s29 =	simm.s32 $0x4240;
	s22 =	simm.s32 $0x14140;
	v2 =	vld [tilespmem:s30+$0x10];
	[tilespmem:s25+$0xFFFFFFF0] =	vst v17;
	v17 =	vsub.f32 v13, v16;
	v16 =	vmul.f32 $1.000000000e+01, v10;
	(erf) = vpow2.f32 v7;
	v13 =	vpop (erf)  }
0xe9: {  	s23 =	simm.s32 $0x14140;
	s24 =	simm.s32 $0x140C0;
	s26 =	simm.s32 $0x180;
	v14 =	vsub.f32 v29, v26;
	v10 =	vld [tilespmem:s31+$0x10];
	v7 =	vmul.f32 $1.000000000e+01, v63;
	(erf) = vrcp.f32 v21;
	[tilespmem:s25+$0xFFFFFFC0] =	vst v13;
	v13 =	vpop (erf)  }
.LBB2_4:
0xea: {  	v21 =	vld [tilespmem:s28+$0xFFFFFFD0];
	s26 =	sadd.s32 $0x80, s26;
	v16 =	vmul.f32 $1.442695020e+00, v16;
	s22 =	sadd.s32 $0x80, s22;
	v20 =	vadd.f32 $1.000000000e+00, v20;
	v22 =	vpop (erf);
	(erf) = vrcp.f32 v15;
	[tilespmem:s25+$0xFFFFFFE0] =	vst v13  }
0xeb: {  	v13 =	vld [tilespmem:s28+$0xFFFFFFC0];
	p0 =	slt.u32 s26, $0x3F80;
	v23 =	vsub.f32 v12, v11;
	v12 =	vmul.f32 $1.000000000e+01, v17;
	(erf) = vpow2.f32 v3;
	[tilespmem:s25+$0x20] =	vst v8;
	v3 =	vpop (erf)  }
0xec: {  	v9 =	vmul.f32 $1.000000000e+01, v9;
	v14 =	vmul.f32 $1.000000000e+01, v14;
	v8 =	vld [tilespmem:s29+$0x0];
	v26 =	vsub.f32 v0, v18;
	v15 =	vpop (erf);
	[tilespmem:s25+$0x10] =	vst v3;
	s25 =	smov.u32 s24;
	s24 =	smov.u32 s23;
	s23 =	smov.u32 s22  }
0xed: {  	v18 =	vadd.f32 $1.000000000e+00, v22;
	v17 =	vld [tilespmem:s29+$0x30];
	v3 =	vmul.f32 $1.000000000e+01, v23;
	v11 =	vpop (erf);
	(erf) = vrcp.f32 v19  }
0xee: {  	v19 =	vld [tilespmem:s29+$0xFFFFFFF0];
	v25 =	vmul.f32 $1.000000000e+01, v26;
	v2 =	vsub.f32 v2, v10;
	(erf) = vpow2.f32 v4;
	v0 =	vpop (erf)  }
0xef: {  	v10 =	vld [tilespmem:s28+$0x30];
	v23 =	vmul.f32 $1.442695020e+00, v3;
	v24 =	vpop (erf);
	[tilespmem:s25+$0x0] =	vst v0;
	(erf) = vrcp.f32 v20;
	v0 =	vmov v21  }
0xf0: {  	v15 =	vadd.f32 $1.000000000e+00, v15;
	v21 =	vld [tilespmem:s29+$0x20];
	v20 =	vmul.f32 $1.442695020e+00, v25;
	v22 =	vpop (erf);
	(erf) = vrcp.f32 v18  }
0xf1: {  	v4 =	vmul.f32 $1.442695020e+00, v14;
	v18 =	vld [tilespmem:s28+$0xFFFFFFF0];
	v14 =	vpop (erf);
	(erf) = vrcp.f32 v6;
	v3 =	vmov v16  }
0xf2: {  	v25 =	vmul.f32 $1.000000000e+01, v2;
	v24 =	vadd.f32 $1.000000000e+00, v24;
	v16 =	vld [tilespmem:s28+$0x0];
	(erf) = vpow2.f32 v5;
	v2 =	vpop (erf)  }
0xf3: {  	v12 =	vmul.f32 $1.442695020e+00, v12;
	v22 =	vadd.f32 $1.000000000e+00, v22;
	v26 =	vld [tilespmem:s29+$0xFFFFFFC0];
	[tilespmem:s25+$0xFFFFFFD0] =	vst v2;
	(erf) = vrcp.f32 v15;
	v27 =	vpop (erf)  }
0xf4: {  	v6 =	vadd.f32 $1.000000000e+00, v14;
	v2 =	vld [tilespmem:s28+$0x10];
	v14 =	vpop (erf);
	(erf) = vpow2.f32 v1;
	v1 =	vmul.f32 $1.442695020e+00, v25  }
0xf5: {  	v5 =	vmul.f32 $1.442695020e+00, v9;
	v15 =	vadd.f32 $1.000000000e+00, v11;
	v25 =	vld [tilespmem:s28+$0x20];
	(erf) = vpow2.f32 v12  }
.Ltmp1:
0xf6: {  	v7 =	vmul.f32 $1.442695020e+00, v7;
	v11 =	vld [tilespmem:s29+$0xFFFFFFE0];
	(erf) = vrcp.f32 v22;
	v9 =	vpop (erf);
	(pc) =	sbr.rel @p0 .LBB2_4-.Ltmp1, $4  }
0xf7: {  	v19 =	vsub.f32 v18, v19;
	v12 =	vld [tilespmem:s28+$0xFFFFFFE0];
	v22 =	vsub.f32 v16, v8;
	(erf) = vpow2.f32 v20;
	v20 =	vpop (erf);
	[tilespmem:s25+$0xFFFFFFF0] =	vst v9  }
0xf8: {  	v17 =	vsub.f32 v10, v17;
	v9 =	vsub.f32 v13, v26;
	v18 =	vld [tilespmem:s29+$0xFFFFFFD0];
	(erf) = vpow2.f32 v7;
	v8 =	vpop (erf)  }
0xf9: {  	v16 =	vmul.f32 $1.000000000e+01, v19;
	v19 =	vadd.f32 $1.000000000e+00, v14;
	(erf) = vpow2.f32 v23;
	[tilespmem:s25+$0x30] =	vst v27;
	v13 =	vpop (erf)  }
0xfa: {  	s28 =	sadd.s32 $0x80, s28;
	v7 =	vmul.f32 $1.000000000e+01, v22;
	v10 =	vld [tilespmem:s29+$0x10];
	v14 =	vsub.f32 v25, v21;
	s29 =	sadd.s32 $0x80, s29;
	(erf) = vrcp.f32 v24;
	[tilespmem:s25+$0xFFFFFFC0] =	vst v13;
	v13 =	vpop (erf)  }
0xfb: {  	v21 =	vpop (erf);
	(erf) = vrcp.f32 v15  }
0xfc: {  	(erf) = vpow2.f32 v3;
	v52 =	vpop (erf)  }
0xfd: {  	v53 =	vadd.f32 $1.000000000e+00, v20;
	v54 =	vpop (erf);
	(erf) = vrcp.f32 v19  }
0xfe: {  	v21 =	vadd.f32 $1.000000000e+00, v21;
	v55 =	vpop (erf);
	(erf) = vpow2.f32 v4  }
0xff: {  	v56 =	vpop (erf);
	(erf) = vrcp.f32 v53  }
0x100: {  	v17 =	vmul.f32 $1.000000000e+01, v17;
	v57 =	vpop (erf);
	(erf) = vrcp.f32 v21  }
0x101: {  	v0 =	vsub.f32 v0, v18;
	v20 =	vadd.f32 $1.000000000e+00, v54;
	v58 =	vpop (erf);
	(erf) = vrcp.f32 v6  }
0x102: {  	v59 =	vsub.f32 v12, v11;
	v62 =	vmul.f32 $1.442695020e+00, v17;
	v60 =	vpop (erf);
	(erf) = vpow2.f32 v5  }
0x103: {  	v0 =	vmul.f32 $1.000000000e+01, v0;
	v61 =	vpop (erf);
	(erf) = vrcp.f32 v20  }
0x104: {  	v6 =	vmul.f32 $1.000000000e+01, v59;
	v63 =	vadd.f32 $1.000000000e+00, v58;
	v21 =	vpop (erf);
	(erf) = vpow2.f32 v1  }
0x105: {  	v0 =	vmul.f32 $1.442695020e+00, v0;
	v22 =	vpop (erf);
	(erf) = vpow2.f32 v62  }
0x106: {  	v7 =	vmul.f32 $1.442695020e+00, v7;
	(erf) = vrcp.f32 v63;
	v23 =	vpop (erf)  }
0x107: {  	v6 =	vmul.f32 $1.442695020e+00, v6;
	(erf) = vpow2.f32 v0;
	v24 =	vpop (erf)  }
0x108: {  	v15 =	vadd.f32 $1.000000000e+00, v57;
	(erf) = vpow2.f32 v7;
	v25 =	vpop (erf)  }
0x109: {  	v26 =	vadd.f32 $1.000000000e+00, v55;
	(erf) = vpow2.f32 v6;
	v27 =	vpop (erf)  }
0x10a: {  	v16 =	vmul.f32 $1.442695020e+00, v16;
	(erf) = vrcp.f32 v15;
	v28 =	vpop (erf)  }
0x10b: {  	v14 =	vmul.f32 $1.000000000e+01, v14;
	v29 =	vpop (erf);
	(erf) = vrcp.f32 v26  }
0x10c: {  	v1 =	vadd.f32 $1.000000000e+00, v22;
	(erf) = vpow2.f32 v16;
	v30 =	vpop (erf)  }
0x10d: {  	v14 =	vmul.f32 $1.442695020e+00, v14;
	v31 =	vpop (erf)  }
0x10e: {  	v32 =	vmul.f32 $1.000000000e+01, v9;
	v0 =	vadd.f32 $1.000000000e+00, v24;
	(erf) = vrcp.f32 v1;
	v33 =	vpop (erf)  }
0x10f: {  	v2 =	vsub.f32 v2, v10;
	v19 =	vadd.f32 $1.000000000e+00, v29;
	(erf) = vpow2.f32 v14;
	v35 =	vpop (erf)  }
0x110: {  	v36 =	vmul.f32 $1.442695020e+00, v32;
	v34 =	vadd.f32 $1.000000000e+00, v60;
	(erf) = vrcp.f32 v0;
	v37 =	vpop (erf)  }
0x111: {  	[tilespmem:s25+$0xFFFFFFE0] =	vst v13;
	v2 =	vmul.f32 $1.000000000e+01, v2;
	(erf) = vrcp.f32 v19;
	v38 =	vpop (erf)  }
0x112: {  	[tilespmem:s25+$0x20] =	vst v8;
	v39 =	vadd.f32 $1.000000000e+00, v31;
	(erf) = vrcp.f32 v34;
	v40 =	vpop (erf)  }
0x113: {  	[tilespmem:s25+$0x10] =	vst v52;
	v41 =	vmul.f32 $1.442695020e+00, v2;
	(erf) = vpow2.f32 v36;
	v42 =	vpop (erf)  }
0x114: {  	[tilespmem:s24+$0x0] =	vst v56;
	(erf) = vrcp.f32 v39;
	v43 =	vpop (erf)  }
0x115: {  	[tilespmem:s24+$0xFFFFFFD0] =	vst v61;
	v44 =	vpop (erf);
	(erf) = vpow2.f32 v41  }
0x116: {  	[tilespmem:s24+$0x30] =	vst v21  }
0x117: {  	[tilespmem:s24+$0xFFFFFFF0] =	vst v23;
	v45 =	vpop (erf)  }
0x118: {  	[tilespmem:s24+$0x20] =	vst v25;
	v46 =	vadd.f32 $1.000000000e+00, v38;
	v47 =	vpop (erf)  }
0x119: {  	[tilespmem:s24+$0xFFFFFFC0] =	vst v27;
	v1 =	vadd.f32 $1.000000000e+00, v37;
	v48 =	vpop (erf)  }
0x11a: {  	[tilespmem:s24+$0xFFFFFFE0] =	vst v28;
	v9 =	vadd.f32 $1.000000000e+00, v33;
	(erf) = vrcp.f32 v46;
	v49 =	vpop (erf)  }
0x11b: {  	[tilespmem:s24+$0x10] =	vst v30;
	v4 =	vadd.f32 $1.000000000e+00, v44;
	(erf) = vrcp.f32 v1;
	v50 =	vpop (erf)  }
0x11c: {  	[tilespmem:s23+$0x0] =	vst v35;
	v51 =	vadd.f32 $1.000000000e+00, v47;
	(erf) = vrcp.f32 v9;
	v52 =	vpop (erf)  }
0x11d: {  	[tilespmem:s23+$0xFFFFFFD0] =	vst v42;
	(erf) = vrcp.f32 v4;
	v8 =	vadd.f32 $1.000000000e+00, v52;
	v54 =	vpop (erf)  }
0x11e: {  	v53 =	vadd.f32 $1.000000000e+00, v40;
	[tilespmem:s23+$0x30] =	vst v43;
	(erf) = vrcp.f32 v51;
	v55 =	vpop (erf)  }
0x11f: {  	[tilespmem:s23+$0xFFFFFFF0] =	vst v45;
	(erf) = vrcp.f32 v8;
	v0 =	vadd.f32 $1.000000000e+00, v55  }
0x120: {  	[tilespmem:s23+$0x20] =	vst v48;
	(erf) = vrcp.f32 v53  }
0x121: {  	[tilespmem:s23+$0xFFFFFFC0] =	vst v49;
	(erf) = vrcp.f32 v0  }
0x122: {  	[tilespmem:s23+$0xFFFFFFE0] =	vst v50  }
0x123: {  	s22 =	sadd.s32 $0x80, s22;
	[tilespmem:s23+$0x10] =	vst v54;
	v56 =	vpop (erf)  }
0x124: {  	[tilespmem:s22+$0x0] =	vst v56;
	v57 =	vpop (erf)  }
0x125: {  	v58 =	vpop (erf);
	[tilespmem:s22+$0xFFFFFFD0] =	vst v57  }
0x126: {  	v59 =	vpop (erf);
	[tilespmem:s22+$0x30] =	vst v58  }
0x127: {  	[tilespmem:s22+$0xFFFFFFF0] =	vst v59;
	v60 =	vpop (erf)  }
0x128: {  	[tilespmem:s22+$0x20] =	vst v60;
	v61 =	vpop (erf)  }
0x129: {  	[tilespmem:s22+$0xFFFFFFC0] =	vst v61;
	v62 =	vpop (erf)  }
0x12a: {  	[tilespmem:s22+$0xFFFFFFE0] =	vst v62;
	v63 =	vpop (erf)  }
0x12b: {  	s21 =	sadd.s32 $0x1, s21;
	[tilespmem:s22+$0x10] =	vst v63  }
0x12c: {  	[hbm4b:s8+s2] =	stream.linear.scatter [tilespmem:s18], [sflag:$0x6], $0x4000, $0x38;
	[tilespmem:$0x18000] =	vst v63  }
0x12d: {  	p0 =	sne.s32 s21, s9;
	_ =	swait.ge [sflag:s19], $0x4000  }
.Ltmp2:
0x12e: {  	[sflag:s19] =	ssyncset.done $0x0;
	(pc) =	sbr.rel @p0 .LBB2_1-.Ltmp2, $4  }
0x12f: {  	[sflag:s19] =	ssyncadd.s32 $0xFFFFC000  }
0x130: {  	_ =	swait.ge [sflag:s20], $0x4000  }
0x131: {  	[sflag:s20] =	ssyncset.done $0x0  }
0x132: {  	[sflag:s20] =	ssyncadd.s32 $0xFFFFC000  }
0x133: {  	_ =	sfence.sel $0x180000  }
0x134: {  	[bflag:$0x0] =	sbarrier.arrive $0xFFFF  }
0x135: {  	p0 =	sne.s32 s1, $0x0;
	_ =	strace $0x90000047  }
0x136: {  	s0 =	sadd.s32 @!p0 $0x100000, s0;
	[bflag:$0x2] =	sbarrier.arrive $0xFFFF  }
0x137: {  	[sflag:s0] =	ssyncadd.tile.s32 @!p0 $0x1;
	_ =	shalt  }
.Lfunc_end2:
_tile_overlayer_lowered:
.L_overlay_start_2:
0x138: {  	(tag) =	ssettag $0x2  }
0x139: {  	s0 =	rddreg [dreg:$0x0];
	s2 =	stileid.u32  }
0x13a: {  	s1 =	rddreg [dreg:$0x1];
	p0 =	sne.s32 s2, $0x0  }
0x13b: {  	s3 =	rddreg [dreg:$0x2];
	[bflag:$0x3] =	sbarrier.arrive $0xFFFF;
	s2 =	simm.s32 @!p0 $0x1C07  }
0x13c: {  	[timem:s3], [sflag:s2] =	dma.local @!p0 [hbm:s0], s1  }
0x13d: {  	s0 =	simm.s32 @!p0 $0x7  }
0x13e: {  	_ =	swait.ge @!p0 [sflag:s0], s1  }
0x13f: {  	s1 =	ssub.s32 @!p0 $0x0, s1;
	[sflag:s0] =	ssyncset.done @!p0 $0x0  }
0x140: {  	[sflag:s0] =	ssyncadd.s32 @!p0 s1  }
0x141: {  	[bflag:$0x3] =	sbarrier.arrive $0xFFFF  }
0x142: {  	_ =	shalt  }

</sc_bundles>
